<compile_context>
chip_gen: v7x
topology: tpu7x:2x2x1
jax: 0.10.2.dev20260603
libtpu: 0.0.44.dev20260713+nightly
codegen_flags: <defaults>
</compile_context>

<pallas_src>
import functools

import jax
import jax.numpy as jnp
from jax import lax
from jax.experimental import pallas as pl
from jax.experimental.pallas import tpu as pltpu
from jax.experimental.pallas import tpu_sc as plsc

_NC = 2
_NS = 16
_NW = _NC * _NS
_C = 112


def _sc_gather(table, idx3d, n_chunks, out_rows, d):
    mesh = plsc.VectorSubcoreMesh(core_axis_name="c", subcore_axis_name="s")
    total_chunks = out_rows // _C

    assert n_chunks % 2 == 1

    @functools.partial(
        pl.kernel,
        out_type=jax.ShapeDtypeStruct((out_rows, d), table.dtype),
        mesh=mesh,
        scratch_types=[
            pltpu.VMEM((n_chunks, _C), jnp.int32),
            pltpu.VMEM((_C, d), table.dtype),
            pltpu.VMEM((_C, d), table.dtype),
            pltpu.SemaphoreType.DMA,
            pltpu.SemaphoreType.DMA,
            pltpu.SemaphoreType.DMA,
            pltpu.SemaphoreType.DMA,
        ],
    )
    def k(table_hbm, idx_hbm, out_hbm, idx_v, rows0, rows1, g0, g1, w0, w1):
        wid = lax.axis_index("s") * _NC + lax.axis_index("c")
        pltpu.sync_copy(idx_hbm.at[wid], idx_v)
        base = wid * n_chunks

        def sg(j, buf, sem):
            pltpu.make_async_copy(table_hbm.at[idx_v.at[j]], buf, sem).start()

        def out_ref(j):
            off = jnp.minimum(base + j, total_chunks - 1) * _C
            return out_hbm.at[pl.ds(off, _C)]

        def sw(j, buf, sem):
            pltpu.make_async_copy(buf, out_ref(j), sem).start()

        def gwait(buf, sem):
            pltpu.make_async_copy(table_hbm.at[idx_v.at[0]], buf, sem).wait()

        def wwait(buf, sem):
            pltpu.make_async_copy(buf, out_hbm.at[pl.ds(0, _C)], sem).wait()

        sg(0, rows0, g0)

        @pl.loop(0, n_chunks // 2)
        def _(p):
            j0 = 2 * p
            gwait(rows0, g0)

            @pl.when(p > 0)
            def _():
                wwait(rows1, w1)

            sg(j0 + 1, rows1, g1)
            sw(j0, rows0, w0)
            gwait(rows1, g1)
            wwait(rows0, w0)
            sg(j0 + 2, rows0, g0)
            sw(j0 + 1, rows1, w1)

        gwait(rows0, g0)
        wwait(rows1, w1)
        sw(n_chunks - 1, rows0, w0)
        wwait(rows0, w0)

    return k(table, idx3d)


def kernel(tokenized_prompts, token_embedding_table):
    n, ctx = tokenized_prompts.shape
    _, d = token_embedding_table.shape
    b = n * ctx
    sweep = _C * _NW
    b_pad = ((b + sweep - 1) // sweep) * sweep
    n_chunks = b_pad // sweep
    flat = tokenized_prompts.T.reshape(-1)
    pad_chunks = (b_pad - b) // _C
    if pad_chunks:
        flat = jnp.concatenate([flat] + [flat[b - _C:]] * pad_chunks)
    idx3d = flat.reshape(_NW, n_chunks, _C)
    out = _sc_gather(token_embedding_table, idx3d, n_chunks, b, d)
    prompts = out.reshape(ctx, n, d).transpose(1, 0, 2)
    return (prompts, tokenized_prompts)

# --- scband reference (transcript-rebuilt; emitter-appended) ---
"""Pipeline reference for scband-fixed-prompt-encoder-51754355917226 (READ-ONLY COPY).

The authoritative reference and input builder live on the scoring server;
editing this copy changes nothing except your own understanding.
"""

import jax, jax.numpy as jnp
import numpy as np

VOCAB = 49408
CTX = 77
N_PROMPTS = 2000  # 2 templates (pos/neg) x 1000 classnames
D = 512


def setup_inputs(seed: int = 0) -> dict:
    key = jax.random.key(seed)
    k1, k2 = jax.random.split(key)
    tokenized_prompts = jax.random.randint(k1, (N_PROMPTS, CTX), 0, VOCAB, dtype=jnp.int64 if jax.config.jax_enable_x64 else jnp.int32).astype(jnp.int32)
    token_embedding_table = jax.random.normal(k2, (VOCAB, D), dtype=jnp.float32) * 0.02
    return {"tokenized_prompts": tokenized_prompts, "token_embedding_table": token_embedding_table}


def reference(tokenized_prompts, token_embedding_table):
    # Faithful to FixedPromptEncoder.forward: under no_grad, embed the fixed
    # tokenized prompts via the CLIP token_embedding table, return both the
    # embedded prompts and the raw tokenized prompts.
    prompts = jnp.take(token_embedding_table, tokenized_prompts, axis=0)  # [N_PROMPTS, CTX, D]
    return (prompts, tokenized_prompts)

if __name__ == "__main__":
    import jax
    _d = setup_inputs()
    print(jax.jit(kernel)(*tuple(_d.values())))

</pallas_src>

<mosaic_0001>
#map = affine_map<(d0, d1) -> (0, 0)>
#map1 = affine_map<(d0, d1) -> (0, 0, 0)>
module attributes {stable_mosaic.version = 14 : i64} {
  func.func @k(%arg0: i32, %arg1: i32, %arg2: memref<49408x512xf32, #tpu.memory_space<hbm>>, %arg3: memref<32x43x112xi32, #tpu.memory_space<hbm>>, %arg4: memref<154000x512xf32, #tpu.memory_space<hbm>>, %arg5: memref<43x112xi32, #tpu.memory_space<vmem>>, %arg6: memref<112x512xf32, #tpu.memory_space<vmem>>, %arg7: memref<112x512xf32, #tpu.memory_space<vmem>>, %arg8: memref<!tpu.dma_semaphore, #tpu.memory_space<semaphore_mem>>, %arg9: memref<!tpu.dma_semaphore, #tpu.memory_space<semaphore_mem>>, %arg10: memref<!tpu.dma_semaphore, #tpu.memory_space<semaphore_mem>>, %arg11: memref<!tpu.dma_semaphore, #tpu.memory_space<semaphore_mem>>) attributes {dimension_semantics = [#tpu.dimension_semantics<core_parallel>, #tpu.dimension_semantics<subcore_parallel>], iteration_bounds = array<i64: 2, 16>, scalar_prefetch = 0 : i64, scratch_operands = 7 : i64, tpu.core_type = #tpu.core_type<sc_vector_subcore>, window_params = [{transform_indices = #map}, {transform_indices = #map1}, {transform_indices = #map}]} {
    %mul3A = arith.constant 2 : i32
    %mul3A_0 = arith.muli %arg1, %mul3A : i32
    %add3A = arith.addi %mul3A_0, %arg0 : i32
    "tpu.region"() ({
      %run_scoped3A = tpu.sem_alloc : memref<!tpu.dma_semaphore, #tpu.memory_space<semaphore_mem>>
      %dma_start3A_40 = arith.constant 0 : i32
      %dma_start3A_41 = arith.constant 0 : i32
      %dma_start3A_42 = tpu.memref_slice %arg3[%add3A, %dma_start3A_40, %dma_start3A_41] : memref<32x43x112xi32, #tpu.memory_space<hbm>> -> memref<1x43x112xi32, #tpu.memory_space<hbm>>
      %dma_start3A_43 = tpu.memref_squeeze %dma_start3A_42 : memref<1x43x112xi32, #tpu.memory_space<hbm>> -> memref<43x112xi32, #tpu.memory_space<hbm>>
      %dma_start3A_44 = arith.constant 0 : i32
      %dma_start3A_45 = arith.constant 0 : i32
      %dma_start3A_46 = tpu.memref_slice %arg3[%add3A, %dma_start3A_44, %dma_start3A_45] : memref<32x43x112xi32, #tpu.memory_space<hbm>> -> memref<1x43x112xi32, #tpu.memory_space<hbm>>
      %dma_start3A_47 = tpu.memref_squeeze %dma_start3A_46 : memref<1x43x112xi32, #tpu.memory_space<hbm>> -> memref<43x112xi32, #tpu.memory_space<hbm>>
      tpu.enqueue_dma source(%dma_start3A_47 : memref<43x112xi32, #tpu.memory_space<hbm>>) target(%arg5 : memref<43x112xi32, #tpu.memory_space<vmem>>) target_semaphore(%run_scoped3A : memref<!tpu.dma_semaphore, #tpu.memory_space<semaphore_mem>>)
      %dma_wait3A_48 = arith.constant 0 : i32
      %dma_wait3A_49 = arith.constant 0 : i32
      %dma_wait3A_50 = tpu.memref_slice %arg3[%add3A, %dma_wait3A_48, %dma_wait3A_49] : memref<32x43x112xi32, #tpu.memory_space<hbm>> -> memref<1x43x112xi32, #tpu.memory_space<hbm>>
      %dma_wait3A_51 = tpu.memref_squeeze %dma_wait3A_50 : memref<1x43x112xi32, #tpu.memory_space<hbm>> -> memref<43x112xi32, #tpu.memory_space<hbm>>
      %dma_wait3A_52 = arith.constant 0 : i32
      %dma_wait3A_53 = arith.constant 0 : i32
      %dma_wait3A_54 = tpu.memref_slice %arg3[%add3A, %dma_wait3A_52, %dma_wait3A_53] : memref<32x43x112xi32, #tpu.memory_space<hbm>> -> memref<1x43x112xi32, #tpu.memory_space<hbm>>
      %dma_wait3A_55 = tpu.memref_squeeze %dma_wait3A_54 : memref<1x43x112xi32, #tpu.memory_space<hbm>> -> memref<43x112xi32, #tpu.memory_space<hbm>>
      tpu.wait_dma2 semaphore(%run_scoped3A : memref<!tpu.dma_semaphore, #tpu.memory_space<semaphore_mem>>) src(%dma_wait3A_55 : memref<43x112xi32, #tpu.memory_space<hbm>>) dst(%arg5 : memref<43x112xi32, #tpu.memory_space<vmem>>)
      tpu.yield
    }) : () -> ()
    %mul3A_1 = arith.constant 43 : i32
    %mul3A_2 = arith.muli %add3A, %mul3A_1 : i32
    %dma_start3A = arith.constant 0 : i32
    %dma_start3A_3 = arith.constant 0 : i32
    %dma_start3A_4 = tpu.memref_slice %arg5[%dma_start3A, %dma_start3A_3] : memref<43x112xi32, #tpu.memory_space<vmem>> -> memref<1x112xi32, #tpu.memory_space<vmem>>
    %dma_start3A_5 = tpu.memref_squeeze %dma_start3A_4 : memref<1x112xi32, #tpu.memory_space<vmem>> -> memref<112xi32, #tpu.memory_space<vmem>>
    %dma_start3A_6 = arith.constant 0 : i32
    %dma_start3A_7 = arith.constant 0 : i32
    %dma_start3A_8 = tpu.memref_slice %arg2[%dma_start3A_6, %dma_start3A_7] : memref<49408x512xf32, #tpu.memory_space<hbm>> -> memref<49408x512xf32, #tpu.memory_space<hbm>>
    tpu.enqueue_indirect_dma source(%dma_start3A_8 : memref<49408x512xf32, #tpu.memory_space<hbm>>) target(%arg6 : memref<112x512xf32, #tpu.memory_space<vmem>>) offsets(%dma_start3A_5 : memref<112xi32, #tpu.memory_space<vmem>>) semaphore(%arg8 : memref<!tpu.dma_semaphore, #tpu.memory_space<semaphore_mem>>)
    %scan3A = arith.constant 0 : i32
    %scan3A_9 = arith.constant 21 : i32
    %scan3A_10 = arith.addi %scan3A, %scan3A_9 : i32
    %scan3A_11 = arith.constant 1 : i32
    scf.for %scan3A_40 = %scan3A to %scan3A_10 step %scan3A_11  : i32 {
      %mul3A_41 = arith.constant 1 : i32
      %mul3A_42 = arith.muli %scan3A_40, %mul3A_41 : i32
      %add3A_43 = arith.constant 0 : i32
      %add3A_44 = arith.addi %add3A_43, %mul3A_42 : i32
      %mul3A_45 = arith.constant 2 : i32
      %mul3A_46 = arith.muli %mul3A_45, %add3A_44 : i32
      %dma_wait3A_47 = arith.constant 0 : i32
      %dma_wait3A_48 = arith.constant 0 : i32
      %dma_wait3A_49 = tpu.memref_slice %arg5[%dma_wait3A_47, %dma_wait3A_48] : memref<43x112xi32, #tpu.memory_space<vmem>> -> memref<1x112xi32, #tpu.memory_space<vmem>>
      %dma_wait3A_50 = tpu.memref_squeeze %dma_wait3A_49 : memref<1x112xi32, #tpu.memory_space<vmem>> -> memref<112xi32, #tpu.memory_space<vmem>>
      %dma_wait3A_51 = arith.constant 0 : i32
      %dma_wait3A_52 = arith.constant 0 : i32
      %dma_wait3A_53 = tpu.memref_slice %arg2[%dma_wait3A_51, %dma_wait3A_52] : memref<49408x512xf32, #tpu.memory_space<hbm>> -> memref<49408x512xf32, #tpu.memory_space<hbm>>
      tpu.wait_indirect_dma semaphore(%arg8 : memref<!tpu.dma_semaphore, #tpu.memory_space<semaphore_mem>>) src(%dma_wait3A_53 : memref<49408x512xf32, #tpu.memory_space<hbm>>) dst(%arg6 : memref<112x512xf32, #tpu.memory_space<vmem>>)
      %gt3A = arith.constant 0 : i32
      %gt3A_54 = arith.cmpi sgt, %add3A_44, %gt3A : i32
      %convert_element_type3A = arith.extui %gt3A_54 : i1 to i32
      %cond3A = arith.constant 0 : i32
      %cond3A_55 = arith.cmpi ne, %convert_element_type3A, %cond3A : i32
      scf.if %cond3A_55 {
        %dma_wait3A_105 = arith.constant 0 : i32
        %dma_wait3A_106 = arith.constant 0 : i32
        %dma_wait3A_107 = tpu.memref_slice %arg4[%dma_wait3A_105, %dma_wait3A_106] : memref<154000x512xf32, #tpu.memory_space<hbm>> -> memref<112x512xf32, #tpu.memory_space<hbm>>
        %dma_wait3A_108 = arith.constant 0 : i32
        %dma_wait3A_109 = arith.constant 0 : i32
        %dma_wait3A_110 = tpu.memref_slice %arg4[%dma_wait3A_108, %dma_wait3A_109] : memref<154000x512xf32, #tpu.memory_space<hbm>> -> memref<112x512xf32, #tpu.memory_space<hbm>>
        tpu.wait_dma2 semaphore(%arg11 : memref<!tpu.dma_semaphore, #tpu.memory_space<semaphore_mem>>) src(%arg7 : memref<112x512xf32, #tpu.memory_space<vmem>>) dst(%dma_wait3A_110 : memref<112x512xf32, #tpu.memory_space<hbm>>)
      } else {
      }
      %add3A_56 = arith.constant 1 : i32
      %add3A_57 = arith.addi %mul3A_46, %add3A_56 : i32
      %dma_start3A_58 = arith.constant 0 : i32
      %dma_start3A_59 = tpu.memref_slice %arg5[%add3A_57, %dma_start3A_58] : memref<43x112xi32, #tpu.memory_space<vmem>> -> memref<1x112xi32, #tpu.memory_space<vmem>>
      %dma_start3A_60 = tpu.memref_squeeze %dma_start3A_59 : memref<1x112xi32, #tpu.memory_space<vmem>> -> memref<112xi32, #tpu.memory_space<vmem>>
      %dma_start3A_61 = arith.constant 0 : i32
      %dma_start3A_62 = arith.constant 0 : i32
      %dma_start3A_63 = tpu.memref_slice %arg2[%dma_start3A_61, %dma_start3A_62] : memref<49408x512xf32, #tpu.memory_space<hbm>> -> memref<49408x512xf32, #tpu.memory_space<hbm>>
      tpu.enqueue_indirect_dma source(%dma_start3A_63 : memref<49408x512xf32, #tpu.memory_space<hbm>>) target(%arg7 : memref<112x512xf32, #tpu.memory_space<vmem>>) offsets(%dma_start3A_60 : memref<112xi32, #tpu.memory_space<vmem>>) semaphore(%arg9 : memref<!tpu.dma_semaphore, #tpu.memory_space<semaphore_mem>>)
      %add3A_64 = arith.addi %mul3A_2, %mul3A_46 : i32
      %min3A_65 = arith.constant 1374 : i32
      %min3A_66 = arith.minsi %add3A_64, %min3A_65 : i32
      %mul3A_67 = arith.constant 112 : i32
      %mul3A_68 = arith.muli %min3A_66, %mul3A_67 : i32
      %dma_start3A_69 = arith.constant 0 : i32
      %dma_start3A_70 = tpu.memref_slice %arg4[%mul3A_68, %dma_start3A_69] : memref<154000x512xf32, #tpu.memory_space<hbm>> -> memref<112x512xf32, #tpu.memory_space<hbm>>
      %dma_start3A_71 = arith.constant 0 : i32
      %dma_start3A_72 = tpu.memref_slice %arg4[%mul3A_68, %dma_start3A_71] : memref<154000x512xf32, #tpu.memory_space<hbm>> -> memref<112x512xf32, #tpu.memory_space<hbm>>
      tpu.enqueue_dma source(%arg6 : memref<112x512xf32, #tpu.memory_space<vmem>>) target(%dma_start3A_72 : memref<112x512xf32, #tpu.memory_space<hbm>>) target_semaphore(%arg10 : memref<!tpu.dma_semaphore, #tpu.memory_space<semaphore_mem>>)
      %dma_wait3A_73 = arith.constant 0 : i32
      %dma_wait3A_74 = arith.constant 0 : i32
      %dma_wait3A_75 = tpu.memref_slice %arg5[%dma_wait3A_73, %dma_wait3A_74] : memref<43x112xi32, #tpu.memory_space<vmem>> -> memref<1x112xi32, #tpu.memory_space<vmem>>
      %dma_wait3A_76 = tpu.memref_squeeze %dma_wait3A_75 : memref<1x112xi32, #tpu.memory_space<vmem>> -> memref<112xi32, #tpu.memory_space<vmem>>
      %dma_wait3A_77 = arith.constant 0 : i32
      %dma_wait3A_78 = arith.constant 0 : i32
      %dma_wait3A_79 = tpu.memref_slice %arg2[%dma_wait3A_77, %dma_wait3A_78] : memref<49408x512xf32, #tpu.memory_space<hbm>> -> memref<49408x512xf32, #tpu.memory_space<hbm>>
      tpu.wait_indirect_dma semaphore(%arg9 : memref<!tpu.dma_semaphore, #tpu.memory_space<semaphore_mem>>) src(%dma_wait3A_79 : memref<49408x512xf32, #tpu.memory_space<hbm>>) dst(%arg7 : memref<112x512xf32, #tpu.memory_space<vmem>>)
      %dma_wait3A_80 = arith.constant 0 : i32
      %dma_wait3A_81 = arith.constant 0 : i32
      %dma_wait3A_82 = tpu.memref_slice %arg4[%dma_wait3A_80, %dma_wait3A_81] : memref<154000x512xf32, #tpu.memory_space<hbm>> -> memref<112x512xf32, #tpu.memory_space<hbm>>
      %dma_wait3A_83 = arith.constant 0 : i32
      %dma_wait3A_84 = arith.constant 0 : i32
      %dma_wait3A_85 = tpu.memref_slice %arg4[%dma_wait3A_83, %dma_wait3A_84] : memref<154000x512xf32, #tpu.memory_space<hbm>> -> memref<112x512xf32, #tpu.memory_space<hbm>>
      tpu.wait_dma2 semaphore(%arg10 : memref<!tpu.dma_semaphore, #tpu.memory_space<semaphore_mem>>) src(%arg6 : memref<112x512xf32, #tpu.memory_space<vmem>>) dst(%dma_wait3A_85 : memref<112x512xf32, #tpu.memory_space<hbm>>)
      %add3A_86 = arith.constant 2 : i32
      %add3A_87 = arith.addi %mul3A_46, %add3A_86 : i32
      %dma_start3A_88 = arith.constant 0 : i32
      %dma_start3A_89 = tpu.memref_slice %arg5[%add3A_87, %dma_start3A_88] : memref<43x112xi32, #tpu.memory_space<vmem>> -> memref<1x112xi32, #tpu.memory_space<vmem>>
      %dma_start3A_90 = tpu.memref_squeeze %dma_start3A_89 : memref<1x112xi32, #tpu.memory_space<vmem>> -> memref<112xi32, #tpu.memory_space<vmem>>
      %dma_start3A_91 = arith.constant 0 : i32
      %dma_start3A_92 = arith.constant 0 : i32
      %dma_start3A_93 = tpu.memref_slice %arg2[%dma_start3A_91, %dma_start3A_92] : memref<49408x512xf32, #tpu.memory_space<hbm>> -> memref<49408x512xf32, #tpu.memory_space<hbm>>
      tpu.enqueue_indirect_dma source(%dma_start3A_93 : memref<49408x512xf32, #tpu.memory_space<hbm>>) target(%arg6 : memref<112x512xf32, #tpu.memory_space<vmem>>) offsets(%dma_start3A_90 : memref<112xi32, #tpu.memory_space<vmem>>) semaphore(%arg8 : memref<!tpu.dma_semaphore, #tpu.memory_space<semaphore_mem>>)
      %add3A_94 = arith.constant 1 : i32
      %add3A_95 = arith.addi %mul3A_46, %add3A_94 : i32
      %add3A_96 = arith.addi %mul3A_2, %add3A_95 : i32
      %min3A_97 = arith.constant 1374 : i32
      %min3A_98 = arith.minsi %add3A_96, %min3A_97 : i32
      %mul3A_99 = arith.constant 112 : i32
      %mul3A_100 = arith.muli %min3A_98, %mul3A_99 : i32
      %dma_start3A_101 = arith.constant 0 : i32
      %dma_start3A_102 = tpu.memref_slice %arg4[%mul3A_100, %dma_start3A_101] : memref<154000x512xf32, #tpu.memory_space<hbm>> -> memref<112x512xf32, #tpu.memory_space<hbm>>
      %dma_start3A_103 = arith.constant 0 : i32
      %dma_start3A_104 = tpu.memref_slice %arg4[%mul3A_100, %dma_start3A_103] : memref<154000x512xf32, #tpu.memory_space<hbm>> -> memref<112x512xf32, #tpu.memory_space<hbm>>
      tpu.enqueue_dma source(%arg7 : memref<112x512xf32, #tpu.memory_space<vmem>>) target(%dma_start3A_104 : memref<112x512xf32, #tpu.memory_space<hbm>>) target_semaphore(%arg11 : memref<!tpu.dma_semaphore, #tpu.memory_space<semaphore_mem>>)
    }
    %scan3A_12 = arith.constant 21 : i32
    %dma_wait3A = arith.constant 0 : i32
    %dma_wait3A_13 = arith.constant 0 : i32
    %dma_wait3A_14 = tpu.memref_slice %arg5[%dma_wait3A, %dma_wait3A_13] : memref<43x112xi32, #tpu.memory_space<vmem>> -> memref<1x112xi32, #tpu.memory_space<vmem>>
    %dma_wait3A_15 = tpu.memref_squeeze %dma_wait3A_14 : memref<1x112xi32, #tpu.memory_space<vmem>> -> memref<112xi32, #tpu.memory_space<vmem>>
    %dma_wait3A_16 = arith.constant 0 : i32
    %dma_wait3A_17 = arith.constant 0 : i32
    %dma_wait3A_18 = tpu.memref_slice %arg2[%dma_wait3A_16, %dma_wait3A_17] : memref<49408x512xf32, #tpu.memory_space<hbm>> -> memref<49408x512xf32, #tpu.memory_space<hbm>>
    tpu.wait_indirect_dma semaphore(%arg8 : memref<!tpu.dma_semaphore, #tpu.memory_space<semaphore_mem>>) src(%dma_wait3A_18 : memref<49408x512xf32, #tpu.memory_space<hbm>>) dst(%arg6 : memref<112x512xf32, #tpu.memory_space<vmem>>)
    %dma_wait3A_19 = arith.constant 0 : i32
    %dma_wait3A_20 = arith.constant 0 : i32
    %dma_wait3A_21 = tpu.memref_slice %arg4[%dma_wait3A_19, %dma_wait3A_20] : memref<154000x512xf32, #tpu.memory_space<hbm>> -> memref<112x512xf32, #tpu.memory_space<hbm>>
    %dma_wait3A_22 = arith.constant 0 : i32
    %dma_wait3A_23 = arith.constant 0 : i32
    %dma_wait3A_24 = tpu.memref_slice %arg4[%dma_wait3A_22, %dma_wait3A_23] : memref<154000x512xf32, #tpu.memory_space<hbm>> -> memref<112x512xf32, #tpu.memory_space<hbm>>
    tpu.wait_dma2 semaphore(%arg11 : memref<!tpu.dma_semaphore, #tpu.memory_space<semaphore_mem>>) src(%arg7 : memref<112x512xf32, #tpu.memory_space<vmem>>) dst(%dma_wait3A_24 : memref<112x512xf32, #tpu.memory_space<hbm>>)
    %add3A_25 = arith.constant 42 : i32
    %add3A_26 = arith.addi %mul3A_2, %add3A_25 : i32
    %min3A = arith.constant 1374 : i32
    %min3A_27 = arith.minsi %add3A_26, %min3A : i32
    %mul3A_28 = arith.constant 112 : i32
    %mul3A_29 = arith.muli %min3A_27, %mul3A_28 : i32
    %dma_start3A_30 = arith.constant 0 : i32
    %dma_start3A_31 = tpu.memref_slice %arg4[%mul3A_29, %dma_start3A_30] : memref<154000x512xf32, #tpu.memory_space<hbm>> -> memref<112x512xf32, #tpu.memory_space<hbm>>
    %dma_start3A_32 = arith.constant 0 : i32
    %dma_start3A_33 = tpu.memref_slice %arg4[%mul3A_29, %dma_start3A_32] : memref<154000x512xf32, #tpu.memory_space<hbm>> -> memref<112x512xf32, #tpu.memory_space<hbm>>
    tpu.enqueue_dma source(%arg6 : memref<112x512xf32, #tpu.memory_space<vmem>>) target(%dma_start3A_33 : memref<112x512xf32, #tpu.memory_space<hbm>>) target_semaphore(%arg10 : memref<!tpu.dma_semaphore, #tpu.memory_space<semaphore_mem>>)
    %dma_wait3A_34 = arith.constant 0 : i32
    %dma_wait3A_35 = arith.constant 0 : i32
    %dma_wait3A_36 = tpu.memref_slice %arg4[%dma_wait3A_34, %dma_wait3A_35] : memref<154000x512xf32, #tpu.memory_space<hbm>> -> memref<112x512xf32, #tpu.memory_space<hbm>>
    %dma_wait3A_37 = arith.constant 0 : i32
    %dma_wait3A_38 = arith.constant 0 : i32
    %dma_wait3A_39 = tpu.memref_slice %arg4[%dma_wait3A_37, %dma_wait3A_38] : memref<154000x512xf32, #tpu.memory_space<hbm>> -> memref<112x512xf32, #tpu.memory_space<hbm>>
    tpu.wait_dma2 semaphore(%arg10 : memref<!tpu.dma_semaphore, #tpu.memory_space<semaphore_mem>>) src(%arg6 : memref<112x512xf32, #tpu.memory_space<vmem>>) dst(%dma_wait3A_39 : memref<112x512xf32, #tpu.memory_space<hbm>>)
    return
  }
}

</mosaic_0001>

<sc_bundles>
// kernel: kernel.3.cloned.1.call-start
scs
__scs_entry_jumppad:
0x0: {  	(pc) =	sbr.rel $0x88, $3  }
0x1: {  	(tag) =	ssettag $0x0;
	lr =	simm.s32 $0x1  }
0x2: {  	[smem:$0x3F9F] =	sst lr;
	_ =	strace $0xD0000000  }
0x3: {  	_ = 	snop  }
0x4: {  	_ = 	snop  }
0x5: {  	_ = 	snop  }
0x6: {  	_ = 	snop  }
0x7: {  	_ = 	snop  }
__scs_overlays_trampoline_lowered:
0x8: {  	[smem:$0x3FAE] =	sst s0  }
0x9: {  	[smem:$0x3FAF] =	sst s1  }
0xa: {  	[smem:$0x3FB0] =	sst s2  }
0xb: {  	[smem:$0x3FB1] =	sst s3  }
0xc: {  	[smem:$0x3FB2] =	sst s4  }
0xd: {  	[smem:$0x3FB3] =	sst s5  }
0xe: {  	[smem:$0x3FB4] =	sst s6  }
0xf: {  	[smem:$0x3FB5] =	sst s7  }
0x10: {  	[smem:$0x3FB6] =	sst s8  }
0x11: {  	[smem:$0x3FB7] =	sst s9;
	s0 =	simm.s32 @!p0 $0x0  }
0x12: {  	s1 =	sld [smem:$0x3F9D];
	s0 =	simm.s32 @p0 $0x1  }
0x13: {  	[smem:$0x3FB8] =	sst s0;
	s0 =	simm.s32 @!p1 $0x0  }
0x14: {  	s2 =	sld [smem:$0x3F9C];
	s0 =	simm.s32 @p1 $0x1  }
0x15: {  	[smem:$0x3FB9] =	sst s0;
	s0 =	simm.s32 @!p2 $0x0  }
0x16: {  	s3 =	sld [smem:$0x3FDB];
	s0 =	simm.s32 @p2 $0x1  }
0x17: {  	s4 =	simm.s32 $0x1BF5;
	[smem:$0x3FBB] =	sst s0  }
0x18: {  	s0 =	sld [smem:$0x3F9E];
	_ =	swait.ge [sflag:s4], $0x0  }
0x19: {  	s7 =	sld [smem:$0x3F9F]  }
0x1a: {  	s8 =	sadd.s32 $0xFFFFE003, lr  }
0x1b: {  	s9 =	sadd.s32 $0xFFFFFEF7, lr;
	s5 =	simm.s32 $0xFFFFFFFF;
	p2 =	slt.u32 s8, $0xFFFFF086  }
0x1c: {  	p1 =	slt.u32 s9, $0xF7A;
	s5 =	simm.s32 @!p2 $0x0  }
0x1d: {  	s5 =	simm.s32 @p1 $0x1;
	p0 =	seq.s32 s7, s2  }
0x1e: {  	s7 =	smul.u32 @!p0 $0xF7A, s2;
	p2 =	seq.s32 @!p0 s5, $0x0  }
0x1f: {  	s9 =	smul.u32 $0xF7A, s1;
	s8 =	simm.s32 @!p0 $0x1BF5;
	p2 =	por !p2, p0  }
0x20: {  	[sflag:s8] =	ssyncset.s32 @!p0 $0xFFFFF086;
	s6 =	sadd.s32 @!p0 s3, s7;
	s7 =	simm.s32 @!p0 $0x108  }
0x21: {  	s3 =	sadd.s32 s3, s9;
	s6 =	sadd.s32 @!p0 $0x88, s6;
	s7 =	simm.s32 @p2 $0x1082  }
0x22: {  	[simem:s7], [sflag:s8] =	dma.local @!p0 [hbm:s6], $0xF7A  }
0x23: {  	s9 =	sor.u32 $0xD0000000, s2;
	s6 =	simm.s32 $0x108;
	_ =	swait.ge @!p0 [sflag:s8], $0x0  }
0x24: {  	s3 =	sadd.s32 $0x88, s3;
	s6 =	simm.s32 @!p1 $0x1082;
	[sflag:s4] =	ssyncset.s32 $0xFFFFF086  }
0x25: {  	[simem:s6], [sflag:s4] =	dma.local [hbm:s3], $0xF7A  }
0x26: {  	[smem:$0x3F9F] =	sst s1;
	(tag) =	ssettag s2;
	_ =	strace s9  }
0x27: {  	s1 =	sld [smem:$0x3FAF]  }
0x28: {  	s2 =	sld [smem:$0x3FB0]  }
0x29: {  	s4 =	sld [smem:$0x3FB2]  }
0x2a: {  	p0 =	seq.s32 s5, $0x0;
	s5 =	sld [smem:$0x3FB3]  }
0x2b: {  	s6 =	sld [smem:$0x3FB4]  }
0x2c: {  	s7 =	sld [smem:$0x3FB5]  }
0x2d: {  	s3 =	simm.s32 $0x108;
	s8 =	sld [smem:$0x3FB6]  }
0x2e: {  	s3 =	simm.s32 @!p0 $0x1082;
	s9 =	sld [smem:$0x3FB7]  }
0x2f: {  	lr =	sadd.s32 s0, s3;
	s0 =	sld [smem:$0x3FAE]  }
0x30: {  	s3 =	sld [smem:$0x3FB1]  }
0x31: {  	[smem:$0x3FBA] =	sst s10  }
0x32: {  	s10 =	sld [smem:$0x3FB8];
	_ =	sdelay $0x3  }
0x33: {  	p0 =	seq.s32 s10, $0x1;
	s10 =	sld [smem:$0x3FBA];
	_ =	sdelay $0x3  }
0x34: {  	[smem:$0x3FBA] =	sst s10  }
0x35: {  	s10 =	sld [smem:$0x3FB9];
	_ =	sdelay $0x3  }
0x36: {  	p1 =	seq.s32 s10, $0x1;
	s10 =	sld [smem:$0x3FBA];
	_ =	sdelay $0x3  }
0x37: {  	[smem:$0x3FBA] =	sst s10  }
0x38: {  	s10 =	sld [smem:$0x3FBB]  }
0x39: {  	_ = 	snop;
	(pc) =	sbr.ind lr, $3  }
0x3a: {  	_ = 	snop  }
0x3b: {  	_ = 	snop  }
0x3c: {  	p2 =	seq.s32 s10, $0x1;
	s10 =	sld [smem:$0x3FBA]  }
0x3d: {  	_ =	shalt  }
0x3e: {  	_ =	shalt  }
0x3f: {  	_ =	shalt  }
0x40: {  	_ =	shalt  }
0x41: {  	_ =	shalt  }
0x42: {  	_ =	shalt  }
0x43: {  	_ =	shalt  }
0x44: {  	_ =	shalt  }
0x45: {  	_ =	shalt  }
0x46: {  	_ =	shalt  }
0x47: {  	_ =	shalt  }
0x48: {  	_ =	shalt  }
0x49: {  	_ =	shalt  }
0x4a: {  	_ =	shalt  }
0x4b: {  	_ =	shalt  }
0x4c: {  	_ =	shalt  }
0x4d: {  	_ =	shalt  }
0x4e: {  	_ =	shalt  }
0x4f: {  	_ =	shalt  }
0x50: {  	_ =	shalt  }
0x51: {  	_ =	shalt  }
0x52: {  	_ =	shalt  }
0x53: {  	_ =	shalt  }
0x54: {  	_ =	shalt  }
0x55: {  	_ =	shalt  }
0x56: {  	_ =	shalt  }
0x57: {  	_ =	shalt  }
0x58: {  	_ =	shalt  }
0x59: {  	_ =	shalt  }
0x5a: {  	_ =	shalt  }
0x5b: {  	_ =	shalt  }
0x5c: {  	_ =	shalt  }
0x5d: {  	_ =	shalt  }
0x5e: {  	_ =	shalt  }
0x5f: {  	_ =	shalt  }
0x60: {  	_ =	shalt  }
0x61: {  	_ =	shalt  }
0x62: {  	_ =	shalt  }
0x63: {  	_ =	shalt  }
0x64: {  	_ =	shalt  }
0x65: {  	_ =	shalt  }
0x66: {  	_ =	shalt  }
0x67: {  	_ =	shalt  }
0x68: {  	_ =	shalt  }
0x69: {  	_ =	shalt  }
0x6a: {  	_ =	shalt  }
0x6b: {  	_ =	shalt  }
0x6c: {  	_ =	shalt  }
0x6d: {  	_ =	shalt  }
0x6e: {  	_ =	shalt  }
0x6f: {  	_ =	shalt  }
0x70: {  	_ =	shalt  }
0x71: {  	_ =	shalt  }
0x72: {  	_ =	shalt  }
0x73: {  	_ =	shalt  }
0x74: {  	_ =	shalt  }
0x75: {  	_ =	shalt  }
0x76: {  	_ =	shalt  }
0x77: {  	_ =	shalt  }
0x78: {  	_ =	shalt  }
0x79: {  	_ =	shalt  }
0x7a: {  	_ =	shalt  }
0x7b: {  	_ =	shalt  }
0x7c: {  	_ =	shalt  }
0x7d: {  	_ =	shalt  }
0x7e: {  	_ =	shalt  }
0x7f: {  	_ =	shalt  }
0x80: {  	_ =	shalt  }
0x81: {  	_ =	shalt  }
0x82: {  	_ =	shalt  }
0x83: {  	_ =	shalt  }
0x84: {  	_ =	shalt  }
0x85: {  	_ =	shalt  }
0x86: {  	_ =	shalt  }
0x87: {  	_ =	shalt  }
.Lfunc_end0:
.L_simem_size_0:
called_computation_lowered:
.L_overlay_start_0:
0x88: {  	s2 =	sld [smem:$0x3FD9]  }
0x89: {  	s3 =	sld [smem:$0x3FFE];
	_ =	sdelay $0x1  }
0x8a: {  	s1 =	srdreg.scid  }
0x8b: {  	s0 =	sand.u32 $0x1, s1  }
0x8c: {  	s14 =	sshll.u32 s0, $0xA;
	s2 =	sadd.s32 s3, s2  }
0x8d: {  	s2 =	sadd.s32 s2, s14  }
0x8e: {  	[smem:$0x3FC6] =	sst s2  }
0x8f: {  	_ = 	snop  }
0x90: {  	s2 =	sld [smem:$0x3FD0];
	_ =	sdelay $0x2  }
0x91: {  	s4 =	simm.s32 $0xA;
	s5 =	simm.s32 $0x10;
	s15 =	sld [smem:$0x3FC8]  }
0x92: {  	[smem:s5], [sflag:s4] =	dma.local [hbm:s2], $0x1  }
0x93: {  	_ =	swait.eq [sflag:s4], $0x1  }
0x94: {  	[sflag:s4] =	ssyncset.done $0x0  }
0x95: {  	[sflag:s4] =	ssyncadd.s32 $0xFFFFFFFF  }
0x96: {  	s16 =	sld [smem:$0x10];
	(tm) =	ssettm $0x1  }
0x97: {  	s17 =	sld [smem:$0x3FFB];
	_ =	sdelay $0x3  }
0x98: {  	_ =	strace s17  }
0x99: {  	s4 =	sld [smem:$0x3FFC];
	_ =	sdelay $0x3  }
0x9a: {  	_ =	strace s4  }
0x9b: {  	s4 =	sld [smem:$0x3FFD];
	_ =	sdelay $0x3  }
0x9c: {  	_ =	strace s4  }
0x9d: {  	_ =	strace $0x8FFFFFFF  }
0x9e: {  	s18 =	sld [smem:$0x3FDB];
	_ =	sdelay $0x1  }
0x9f: {  	s19 =	simm.s32 $_scs_section_size  }
0xa0: {  	s6 =	simm.s32 $_size__tile_overlayer_lowered;
	s7 =	simm.s32 $_tile_overlayer_lowered  }
0xa1: {  	s22 =	simm.s32 $0x1BFF;
	s21 =	sshll.u32 s7, $0x1;
	s4 =	sadd.s32 s19, s18  }
0xa2: {  	s8 =	simm.s32 $0x0;
	s20 =	sshll.u32 s6, $0x1;
	s6 =	sadd.s32 s21, s4  }
0xa3: {  	[timem:s8], [sflag:s22] =	dma.local [hbm:s6], s20  }
0xa4: {  	_ =	swait.ge [sflag:s22], s20  }
0xa5: {  	s5 =	ssub.s32 $0x0, s20;
	[sflag:s22] =	ssyncset.done $0x0  }
0xa6: {  	[sflag:s22] =	ssyncadd.s32 s5;
	_ =	sdelay $0x1  }
0xa7: {  	s23 =	simm.s32 $0x1B8B  }
0xa8: {  	_ =	swait.ge [sflag:s23], $0x1  }
0xa9: {  	[sflag:s23] =	ssyncset.done $0x0  }
0xaa: {  	s25 =	simm.s32 $0x1B8E;
	s24 =	sld [smem:$0x3FFE];
	[sflag:s23] =	ssyncadd.s32 $0xFFFFFFFF  }
0xab: {  	s26 =	simm.s32 $execute0_lowered;
	[smem:$0x3FD2] =	sst s25  }
0xac: {  	s6 =	sshll.u32 s26, $0x1;
	_ =	strace $0x80000046;
	[dreg:$0x1] =	wrdreg $0xFFFFFFFF  }
0xad: {  	s28 =	simm.s32 $_size_execute0_lowered;
	s4 =	sadd.s32 s4, s6;
	[dreg:$0x0] =	wrdreg $0x0  }
0xae: {  	s6 =	sshll.u32 s28, $0x1;
	[dreg:$0x2] =	wrdreg s4  }
0xaf: {  	[dreg:$0x3] =	wrdreg s6  }
0xb0: {  	[dreg:$0x4] =	wrdreg $0xC0  }
0xb1: {  	_ =	task [dreg:s8], $0x5FFFF  }
0xb2: {  	[dreg:$0x1] =	wrdreg $0xFFFFFFFF  }
0xb3: {  	[dreg:$0x0] =	wrdreg $0x60  }
0xb4: {  	[dreg:$0x2] =	wrdreg s15  }
0xb5: {  	[dreg:$0x3] =	wrdreg s24  }
0xb6: {  	[dreg:$0x4] =	wrdreg s16  }
0xb7: {  	[dreg:$0x5] =	wrdreg $0x9  }
0xb8: {  	_ =	task.clear_ibuf [dreg:s8], $0x6FFFF;
	_ =	strace $0x90000046  }
0xb9: {  	s29 =	simm.s32 $0x9;
	_ =	strace $0x80000048  }
0xba: {  	_ =	swait.ge [sflag:s29], $0x1  }
0xbb: {  	[sflag:s29] =	ssyncadd.s32 $0xFFFFFFFF  }
0xbc: {  	_ =	strace $0x90000048  }
0xbd: {  	_ =	sfence  }
0xbe: {  	s30 =	sld [smem:$0x0];
	_ =	sdelay $0x2  }
0xbf: {  	s31 =	sshll.u32 s1, $0xD;
	s1 =	sshrl.u32 s1, $0x2  }
0xc0: {  	s3 =	sand.u32 $0x4000, s31;
	s1 =	sadd.s32 s1, s30  }
0xc1: {  	s0 =	sor.u32 s3, s0;
	s1 =	sshll.u32 s1, $0x11  }
0xc2: {  	s0 =	sor.u32 s1, s0  }
0xc3: {  	s0 =	sadd.s32 $0x8F2B, s0  }
0xc4: {  	[sflag:s0] =	ssyncadd.remote.s32 $0x1  }
0xc5: {  	_ =	sfence.sel $0xFFFF  }
0xc6: {  	[dreg:$0x0] =	wrdreg $0xFFFFFFFF;
	(pc) =	sbr.abs _section_cstart, $3  }
0xc7: {  	[dreg:$0x1] =	wrdreg $0xFFFFFFFF  }
0xc8: {  	_ =	task.clear_ibuf [dreg:s8], $0x2FFFF;
	_ =	strace $0x9FFFFFFF  }
0xc9: {  	(tm) =	ssettm $0x7FFFFFFF  }
tec
execute0_lowered:
.L_overlay_start_1:
0x0: {  	(tag) =	ssettag $0x1  }
0x1: {  	s2 =	rddreg [dreg:$0x0]  }
0x2: {  	s0 =	srdreg.scid;
	s4 =	rddreg [dreg:$0x1]  }
0x3: {  	s3 =	stileid.u32;
	s6 =	rddreg [dreg:$0x2]  }
0x4: {  	s1 =	sshll.u32 s3, $0x1;
	s7 =	smul.u32 $0x96800, s3;
	s3 =	simm.s32 $0x0  }
0x5: {  	s9 =	simm.s32 $0x10000;
	s11 =	simm.s32 $0x10800;
	[smem:$0x7FF] =	sst s3  }
0x6: {  	s12 =	simm.s32 $0x11000;
	_ =	strace $0x80000047;
	[dreg:$0x5] =	wrdreg s9  }
0x7: {  	s13 =	simm.s32 $0x11800;
	s14 =	simm.s32 $0x12000;
	[dreg:$0x6] =	wrdreg s11  }
0x8: {  	s15 =	simm.s32 $0x12800;
	s16 =	simm.s32 $0x13000;
	[dreg:$0x7] =	wrdreg s12  }
0x9: {  	s17 =	simm.s32 $0x13800;
	s18 =	simm.s32 $0x14000;
	[dreg:$0x8] =	wrdreg s13  }
0xa: {  	s19 =	simm.s32 $0x14800;
	s20 =	simm.s32 $0x15000;
	[dreg:$0x9] =	wrdreg s14  }
0xb: {  	s21 =	simm.s32 $0x15800;
	s22 =	simm.s32 $0x16000;
	[dreg:$0xa] =	wrdreg s15  }
0xc: {  	s23 =	simm.s32 $0x16800;
	s24 =	simm.s32 $0x17000;
	[dreg:$0xb] =	wrdreg s16  }
0xd: {  	s25 =	simm.s32 $0x17800;
	s26 =	simm.s32 $0x18000;
	[dreg:$0xc] =	wrdreg s17  }
0xe: {  	s28 =	simm.s32 $0x8000;
	s29 =	simm.s32 $0x8800;
	[dreg:$0xd] =	wrdreg s18  }
0xf: {  	s30 =	simm.s32 $0xC000;
	s0 =	sand.u32 $0x1, s0;
	[dreg:$0xe] =	wrdreg s19  }
0x10: {  	s31 =	simm.s32 $0xC800;
	s1 =	sor.u32 s0, s1;
	[dreg:$0xf] =	wrdreg s20  }
0x11: {  	s8 =	smul.u32 $0x4B400, s0;
	s0 =	ssub.s32 $0x2, s0;
	[dreg:$0x10] =	wrdreg s21  }
0x12: {  	s5 =	smul.u32 $0x300, s1;
	s7 =	sadd.s32 s7, s6;
	[dreg:$0x11] =	wrdreg s22  }
0x13: {  	s10 =	sshrl.u32 s0, $0x1;
	s1 =	smul.u32 $0x2B, s1;
	[dreg:$0x12] =	wrdreg s23  }
0x14: {  	s9 =	simm.s32 $0x1800;
	s17 =	simm.s32 $0x2000;
	[dreg:$0x13] =	wrdreg s24  }
0x15: {  	s15 =	simm.s32 $0x2800;
	s16 =	simm.s32 $0x3000;
	[dreg:$0x14] =	wrdreg s25  }
0x16: {  	s18 =	simm.s32 $0x3800;
	[dreg:$0x15] =	wrdreg s26;
	s19 =	simm.s32 $0x4000  }
0x17: {  	s20 =	simm.s32 $0x4800;
	s21 =	simm.s32 $0x5000;
	s22 =	simm.s32 $0x5800  }
0x18: {  	s23 =	simm.s32 $0x6000;
	s24 =	simm.s32 $0x6800;
	s11 =	simm.s32 $0x1B800  }
0x19: {  	s25 =	simm.s32 $0x7000;
	s12 =	simm.s32 $0x1C000;
	s26 =	simm.s32 $0x7800  }
0x1a: {  	s13 =	simm.s32 $0x1C800;
	s14 =	simm.s32 $0x1D000;
	[dreg:$0x1c] =	wrdreg s11  }
0x1b: {  	s8 =	sadd.s32 s8, s7;
	s0 =	ssub.s32 s0, s10;
	[dreg:$0x1d] =	wrdreg s12  }
0x1c: {  	s7 =	simm.s32 $0x1A000;
	s10 =	simm.s32 $0x1B000;
	[dreg:$0x1e] =	wrdreg s13  }
0x1d: {  	[dreg:$0x1f] =	wrdreg s14;
	s11 =	simm.s32 $0xF800;
	s12 =	simm.s32 $0x2  }
0x1e: {  	s13 =	simm.s32 $0x3;
	s14 =	simm.s32 $0x0;
	[dreg:$0x4] =	wrdreg s8  }
0x1f: {  	s4 =	sadd.s32 s5, s4;
	s1 =	smin.u32 s1, $0x534;
	[dreg:$0x19] =	wrdreg s7  }
0x20: {  	s5 =	sadd.s32 $0x100, s2;
	s0 =	smax.u32 s0, $0x1;
	[dreg:$0x1b] =	wrdreg s10  }
0x21: {  	s8 =	simm.s32 $0x1A800;
	s7 =	simm.s32 $0xB000;
	[smem:$0x7FD] =	sst s14  }
0x22: {  	s10 =	simm.s32 $0x1;
	s1 =	smul.u32 $0xE000, s1;
	[smem:$0x7FC] =	sst s0  }
0x23: {  	s4 =	sadd.s32 $0x600, s4;
	[dreg:$0x1a] =	wrdreg s8;
	s0 =	simm.s32 $0x9800  }
0x24: {  	[smem:$0x7FA] =	sst s4;
	s4 =	simm.s32 $0x19000;
	s1 =	sshrl.u32 s1, $0x3  }
0x25: {  	[dreg:$0x17] =	wrdreg s4;
	s1 =	sadd.s32 s6, s1;
	s6 =	simm.s32 $0x19800  }
0x26: {  	v2 =	vlaneseq.u32;
	s8 =	simm.s32 $0xB800;
	s1 =	sadd.s32 $0x49800, s1;
	[dreg:$0x18] =	wrdreg s6  }
0x27: {  	vm0 =	vmmov $0xffff;
	v1 =	vshrl.u32 v2, $0x3;
	s4 =	simm.s32 $0xA000;
	[smem:$0x7FB] =	sst s1;
	s1 =	simm.s32 $0x18800  }
0x28: {  	v0 =	vand.u32 $0x7, v2;
	v2 =	vor.u32 $0x8, v2;
	v1 =	vmul.u32 $0x8, v1;
	s6 =	simm.s32 $0xA800;
	[dreg:$0x16] =	wrdreg s1;
	s1 =	simm.s32 $0x9000  }
.LBB2_1:
0x29: {  	s14 =	sld [smem:$0x7FA];
	_ =	sdelay $0x2  }
0x2a: {  	[tilespmem:s3], [sflag:$0x5] =	stream.linear.gather [hbm4b:s14+s3], $0x1580, $0x38;
	[tilespmem:$0x1D800] =	vst v63  }
0x2b: {  	s14 =	simm.s32 $0x5  }
0x2c: {  	_ =	swait.ge [sflag:s14], $0x1580  }
0x2d: {  	[sflag:s14] =	ssyncset.done $0x0  }
0x2e: {  	[sflag:s14] =	ssyncadd.s32 $0xFFFFEA80  }
0x2f: {  	v3 =	vld [tilespmem:$0x0];
	_ =	sdelay $0x4  }
0x30: {  	v4 =	vshll.u32 v3, $0x2  }
0x31: {  	v3 =	vand.u32 $0x7, v3;
	v4 =	vand.u32 $0xFFFFFFE0, v4  }
0x32: {  	v3 =	vor.u32 v3, v4  }
0x33: {  	v4 =	vperm.xlane v3, v0;
	_ =	sdelay $0x1  }
0x34: {  	v4 =	vadd.s32 v1, v4;
	_ =	sdelay $0x1  }
0x35: {  	v3 =	vperm.xlane v3, v2;
	_ =	sdelay $0x1  }
0x36: {  	v3 =	vadd.s32 v1, v3  }
0x37: {  	[tilespmem:s9], [sflag:$0x1] =	stream.indirect_vreg.gather [hbm4b:s2+s3], $0x80, v4, vm0, $0xb8;
	[tilespmem:$0x1D800] =	vst v63  }
0x38: {  	_ = 	snop  }
0x39: {  	[tilespmem:s17], [sflag:$0x1] =	stream.indirect_vreg.gather [hbm4b:s5+s3], $0x80, v4, vm0, $0xb8;
	[tilespmem:$0x1D800] =	vst v63  }
0x3a: {  	_ = 	snop  }
0x3b: {  	[tilespmem:s15], [sflag:$0x1] =	stream.indirect_vreg.gather [hbm4b:s2+s3], $0x80, v3, vm0, $0xb8;
	[tilespmem:$0x1D800] =	vst v63  }
0x3c: {  	_ = 	snop  }
0x3d: {  	[tilespmem:s16], [sflag:$0x1] =	stream.indirect_vreg.gather [hbm4b:s5+s3], $0x80, v3, vm0, $0xb8;
	[tilespmem:$0x1D800] =	vst v63  }
0x3e: {  	v3 =	vld [tilespmem:$0x10];
	_ =	sdelay $0x4  }
0x3f: {  	v58 =	vshll.u32 v3, $0x2  }
0x40: {  	v3 =	vand.u32 $0x7, v3;
	v4 =	vand.u32 $0xFFFFFFE0, v58  }
0x41: {  	v3 =	vor.u32 v3, v4  }
0x42: {  	v4 =	vperm.xlane v3, v0;
	_ =	sdelay $0x1  }
0x43: {  	v4 =	vadd.s32 v1, v4;
	_ =	sdelay $0x1  }
0x44: {  	v3 =	vperm.xlane v3, v2;
	_ =	sdelay $0x1  }
0x45: {  	v3 =	vadd.s32 v1, v3  }
0x46: {  	[tilespmem:s18], [sflag:$0x1] =	stream.indirect_vreg.gather [hbm4b:s2+s3], $0x80, v4, vm0, $0xb8;
	[tilespmem:$0x1D800] =	vst v63  }
0x47: {  	_ = 	snop  }
0x48: {  	[tilespmem:s19], [sflag:$0x1] =	stream.indirect_vreg.gather [hbm4b:s5+s3], $0x80, v4, vm0, $0xb8;
	[tilespmem:$0x1D800] =	vst v63  }
0x49: {  	_ = 	snop  }
0x4a: {  	[tilespmem:s20], [sflag:$0x1] =	stream.indirect_vreg.gather [hbm4b:s2+s3], $0x80, v3, vm0, $0xb8;
	[tilespmem:$0x1D800] =	vst v63  }
0x4b: {  	_ = 	snop  }
0x4c: {  	[tilespmem:s21], [sflag:$0x1] =	stream.indirect_vreg.gather [hbm4b:s5+s3], $0x80, v3, vm0, $0xb8;
	[tilespmem:$0x1D800] =	vst v63  }
0x4d: {  	v3 =	vld [tilespmem:$0x20];
	_ =	sdelay $0x4  }
0x4e: {  	v59 =	vshll.u32 v3, $0x2  }
0x4f: {  	v3 =	vand.u32 $0x7, v3;
	v4 =	vand.u32 $0xFFFFFFE0, v59  }
0x50: {  	v3 =	vor.u32 v3, v4  }
0x51: {  	v4 =	vperm.xlane v3, v0;
	_ =	sdelay $0x1  }
0x52: {  	v4 =	vadd.s32 v1, v4;
	_ =	sdelay $0x1  }
0x53: {  	v3 =	vperm.xlane v3, v2;
	_ =	sdelay $0x1  }
0x54: {  	v3 =	vadd.s32 v1, v3  }
0x55: {  	[tilespmem:s22], [sflag:$0x1] =	stream.indirect_vreg.gather [hbm4b:s2+s3], $0x80, v4, vm0, $0xb8;
	[tilespmem:$0x1D800] =	vst v63  }
0x56: {  	_ = 	snop  }
0x57: {  	[tilespmem:s23], [sflag:$0x1] =	stream.indirect_vreg.gather [hbm4b:s5+s3], $0x80, v4, vm0, $0xb8;
	[tilespmem:$0x1D800] =	vst v63  }
0x58: {  	_ = 	snop  }
0x59: {  	[tilespmem:s24], [sflag:$0x1] =	stream.indirect_vreg.gather [hbm4b:s2+s3], $0x80, v3, vm0, $0xb8;
	[tilespmem:$0x1D800] =	vst v63  }
0x5a: {  	_ = 	snop  }
0x5b: {  	[tilespmem:s25], [sflag:$0x1] =	stream.indirect_vreg.gather [hbm4b:s5+s3], $0x80, v3, vm0, $0xb8;
	[tilespmem:$0x1D800] =	vst v63  }
0x5c: {  	v3 =	vld [tilespmem:$0x30];
	_ =	sdelay $0x4  }
0x5d: {  	v60 =	vshll.u32 v3, $0x2  }
0x5e: {  	v3 =	vand.u32 $0x7, v3;
	v4 =	vand.u32 $0xFFFFFFE0, v60  }
0x5f: {  	v3 =	vor.u32 v3, v4  }
0x60: {  	v4 =	vperm.xlane v3, v0;
	_ =	sdelay $0x1  }
0x61: {  	v4 =	vadd.s32 v1, v4;
	_ =	sdelay $0x1  }
0x62: {  	v3 =	vperm.xlane v3, v2;
	_ =	sdelay $0x1  }
0x63: {  	v3 =	vadd.s32 v1, v3  }
0x64: {  	[tilespmem:s26], [sflag:$0x1] =	stream.indirect_vreg.gather [hbm4b:s2+s3], $0x80, v4, vm0, $0xb8;
	[tilespmem:$0x1D800] =	vst v63  }
0x65: {  	_ = 	snop  }
0x66: {  	[tilespmem:s28], [sflag:$0x1] =	stream.indirect_vreg.gather [hbm4b:s5+s3], $0x80, v4, vm0, $0xb8;
	[tilespmem:$0x1D800] =	vst v63  }
0x67: {  	_ = 	snop  }
0x68: {  	[tilespmem:s29], [sflag:$0x1] =	stream.indirect_vreg.gather [hbm4b:s2+s3], $0x80, v3, vm0, $0xb8;
	[tilespmem:$0x1D800] =	vst v63  }
0x69: {  	_ = 	snop  }
0x6a: {  	[tilespmem:s1], [sflag:$0x1] =	stream.indirect_vreg.gather [hbm4b:s5+s3], $0x80, v3, vm0, $0xb8;
	[tilespmem:$0x1D800] =	vst v63  }
0x6b: {  	v3 =	vld [tilespmem:$0x40];
	_ =	sdelay $0x4  }
0x6c: {  	v61 =	vshll.u32 v3, $0x2  }
0x6d: {  	v3 =	vand.u32 $0x7, v3;
	v4 =	vand.u32 $0xFFFFFFE0, v61  }
0x6e: {  	v3 =	vor.u32 v3, v4  }
0x6f: {  	v4 =	vperm.xlane v3, v0;
	_ =	sdelay $0x1  }
0x70: {  	v4 =	vadd.s32 v1, v4;
	_ =	sdelay $0x1  }
0x71: {  	v3 =	vperm.xlane v3, v2;
	_ =	sdelay $0x1  }
0x72: {  	v3 =	vadd.s32 v1, v3  }
0x73: {  	[tilespmem:s0], [sflag:$0x1] =	stream.indirect_vreg.gather [hbm4b:s2+s3], $0x80, v4, vm0, $0xb8;
	[tilespmem:$0x1D800] =	vst v63  }
0x74: {  	_ = 	snop  }
0x75: {  	[tilespmem:s4], [sflag:$0x1] =	stream.indirect_vreg.gather [hbm4b:s5+s3], $0x80, v4, vm0, $0xb8;
	[tilespmem:$0x1D800] =	vst v63  }
0x76: {  	_ = 	snop  }
0x77: {  	[tilespmem:s6], [sflag:$0x1] =	stream.indirect_vreg.gather [hbm4b:s2+s3], $0x80, v3, vm0, $0xb8;
	[tilespmem:$0x1D800] =	vst v63  }
0x78: {  	_ = 	snop  }
0x79: {  	[tilespmem:s7], [sflag:$0x1] =	stream.indirect_vreg.gather [hbm4b:s5+s3], $0x80, v3, vm0, $0xb8;
	[tilespmem:$0x1D800] =	vst v63  }
0x7a: {  	v3 =	vld [tilespmem:$0x50];
	_ =	sdelay $0x4  }
0x7b: {  	v62 =	vshll.u32 v3, $0x2  }
0x7c: {  	v3 =	vand.u32 $0x7, v3;
	v4 =	vand.u32 $0xFFFFFFE0, v62  }
0x7d: {  	v3 =	vor.u32 v3, v4  }
0x7e: {  	v4 =	vperm.xlane v3, v0;
	_ =	sdelay $0x1  }
0x7f: {  	v4 =	vadd.s32 v1, v4;
	_ =	sdelay $0x1  }
0x80: {  	v3 =	vperm.xlane v3, v2;
	_ =	sdelay $0x1  }
0x81: {  	v3 =	vadd.s32 v1, v3  }
0x82: {  	[tilespmem:s8], [sflag:$0x1] =	stream.indirect_vreg.gather [hbm4b:s2+s3], $0x80, v4, vm0, $0xb8;
	[tilespmem:$0x1D800] =	vst v63  }
0x83: {  	_ = 	snop  }
0x84: {  	[tilespmem:s30], [sflag:$0x1] =	stream.indirect_vreg.gather [hbm4b:s5+s3], $0x80, v4, vm0, $0xb8;
	[tilespmem:$0x1D800] =	vst v63  }
0x85: {  	_ = 	snop  }
0x86: {  	[tilespmem:s31], [sflag:$0x1] =	stream.indirect_vreg.gather [hbm4b:s2+s3], $0x80, v3, vm0, $0xb8;
	[tilespmem:$0x1D800] =	vst v63  }
0x87: {  	s26 =	simm.s32 $0xD000  }
0x88: {  	[tilespmem:s26], [sflag:$0x1] =	stream.indirect_vreg.gather [hbm4b:s5+s3], $0x80, v3, vm0, $0xb8;
	[tilespmem:$0x1D800] =	vst v63  }
0x89: {  	v3 =	vld [tilespmem:$0x60];
	_ =	sdelay $0x4  }
0x8a: {  	v63 =	vshll.u32 v3, $0x2  }
0x8b: {  	v3 =	vand.u32 $0x7, v3;
	v4 =	vand.u32 $0xFFFFFFE0, v63  }
0x8c: {  	v3 =	vor.u32 v3, v4  }
0x8d: {  	v4 =	vperm.xlane v3, v0;
	_ =	sdelay $0x1  }
0x8e: {  	v4 =	vadd.s32 v1, v4  }
0x8f: {  	s14 =	simm.s32 $0xB0;
	s15 =	simm.s32 $0x0  }
0x90: {  	s18 =	simm.s32 $0xE800;
	s19 =	simm.s32 $0x3000;
	s20 =	simm.s32 $0xC000;
	v3 =	vperm.xlane v3, v2  }
0x91: {  	s21 =	simm.s32 $0x4000;
	s22 =	simm.s32 $0xF000;
	s23 =	simm.s32 $0x5000  }
0x92: {  	s24 =	simm.s32 $0xD800;
	s25 =	simm.s32 $0x6000;
	s28 =	simm.s32 $0x7000;
	v3 =	vadd.s32 v1, v3  }
0x93: {  	[tilespmem:s24], [sflag:$0x1] =	stream.indirect_vreg.gather [hbm4b:s2+s3], $0x80, v4, vm0, $0xb8;
	[tilespmem:$0x1D800] =	vst v63  }
0x94: {  	s29 =	simm.s32 $0xE000;
	s1 =	simm.s32 $0x9000;
	s0 =	simm.s32 $0x9800  }
0x95: {  	[tilespmem:s29], [sflag:$0x1] =	stream.indirect_vreg.gather [hbm4b:s5+s3], $0x80, v4, vm0, $0xb8;
	[tilespmem:$0x1D800] =	vst v63  }
0x96: {  	s4 =	simm.s32 $0xA000;
	s6 =	simm.s32 $0xA800;
	s7 =	simm.s32 $0xB000  }
0x97: {  	[tilespmem:s18], [sflag:$0x1] =	stream.indirect_vreg.gather [hbm4b:s2+s3], $0x80, v3, vm0, $0xb8;
	[tilespmem:$0x1D800] =	vst v63  }
0x98: {  	s8 =	simm.s32 $0xB800;
	s30 =	simm.s32 $0x8000;
	s31 =	simm.s32 $0x8800  }
0x99: {  	[tilespmem:s22], [sflag:$0x1] =	stream.indirect_vreg.gather [hbm4b:s5+s3], $0x80, v3, vm0, $0xb8;
	[tilespmem:$0x1D800] =	vst v63  }
.LBB2_2:
0x9a: {  	_ =	swait.ge [sflag:s10], $0xE000  }
0x9b: {  	p0 =	seq.s32 s15, $0x0;
	[sflag:s10] =	ssyncset.done $0x0  }
0x9c: {  	s16 =	simm.s32 @!p0 $0x4;
	[sflag:s10] =	ssyncadd.s32 $0xFFFF2000  }
0x9d: {  	_ =	swait.ge @!p0 [sflag:s16], $0xE000  }
0x9e: {  	[sflag:s16] =	ssyncset.done @!p0 $0x0  }
0x9f: {  	[sflag:s16] =	ssyncadd.s32 @!p0 $0xFFFF2000  }
0xa0: {  	v3 =	vld [tilespmem:s14+$0xFFFFFFD0];
	_ =	sdelay $0x4  }
0xa1: {  	v4 =	vshll.u32 v3, $0x2  }
0xa2: {  	v3 =	vand.u32 $0x7, v3;
	v4 =	vand.u32 $0xFFFFFFE0, v4  }
0xa3: {  	v3 =	vor.u32 v3, v4  }
0xa4: {  	v4 =	vperm.xlane v3, v0;
	_ =	sdelay $0x1  }
0xa5: {  	v4 =	vadd.s32 v1, v4;
	_ =	sdelay $0x1  }
0xa6: {  	v3 =	vperm.xlane v3, v2;
	_ =	sdelay $0x1  }
0xa7: {  	v3 =	vadd.s32 v1, v3  }
0xa8: {  	[tilespmem:s11], [sflag:$0x2] =	stream.indirect_vreg.gather [hbm4b:s2+s3], $0x80, v4, vm0, $0xb8;
	[tilespmem:$0x1D800] =	vst v63  }
0xa9: {  	s26 =	rddreg [dreg:$0x5]  }
0xaa: {  	[tilespmem:s26], [sflag:$0x2] =	stream.indirect_vreg.gather [hbm4b:s5+s3], $0x80, v4, vm0, $0xb8;
	[tilespmem:$0x1D800] =	vst v63  }
0xab: {  	s17 =	rddreg [dreg:$0x6]  }
0xac: {  	[tilespmem:s17], [sflag:$0x2] =	stream.indirect_vreg.gather [hbm4b:s2+s3], $0x80, v3, vm0, $0xb8;
	[tilespmem:$0x1D800] =	vst v63  }
0xad: {  	s26 =	rddreg [dreg:$0x7]  }
0xae: {  	[tilespmem:s26], [sflag:$0x2] =	stream.indirect_vreg.gather [hbm4b:s5+s3], $0x80, v3, vm0, $0xb8;
	[tilespmem:$0x1D800] =	vst v63  }
0xaf: {  	v3 =	vld [tilespmem:s14+$0xFFFFFFE0];
	_ =	sdelay $0x4  }
0xb0: {  	v51 =	vshll.u32 v3, $0x2  }
0xb1: {  	v3 =	vand.u32 $0x7, v3;
	v4 =	vand.u32 $0xFFFFFFE0, v51  }
0xb2: {  	v3 =	vor.u32 v3, v4  }
0xb3: {  	v4 =	vperm.xlane v3, v0;
	_ =	sdelay $0x1  }
0xb4: {  	v4 =	vadd.s32 v1, v4;
	_ =	sdelay $0x1  }
0xb5: {  	v3 =	vperm.xlane v3, v2;
	_ =	sdelay $0x1  }
0xb6: {  	s17 =	rddreg [dreg:$0x8];
	v3 =	vadd.s32 v1, v3  }
0xb7: {  	[tilespmem:s17], [sflag:$0x2] =	stream.indirect_vreg.gather [hbm4b:s2+s3], $0x80, v4, vm0, $0xb8;
	[tilespmem:$0x1D800] =	vst v63  }
0xb8: {  	s26 =	rddreg [dreg:$0x9]  }
0xb9: {  	[tilespmem:s26], [sflag:$0x2] =	stream.indirect_vreg.gather [hbm4b:s5+s3], $0x80, v4, vm0, $0xb8;
	[tilespmem:$0x1D800] =	vst v63  }
0xba: {  	s16 =	rddreg [dreg:$0xa]  }
0xbb: {  	[tilespmem:s16], [sflag:$0x2] =	stream.indirect_vreg.gather [hbm4b:s2+s3], $0x80, v3, vm0, $0xb8;
	[tilespmem:$0x1D800] =	vst v63  }
0xbc: {  	s26 =	rddreg [dreg:$0xb]  }
0xbd: {  	[tilespmem:s26], [sflag:$0x2] =	stream.indirect_vreg.gather [hbm4b:s5+s3], $0x80, v3, vm0, $0xb8;
	[tilespmem:$0x1D800] =	vst v63  }
0xbe: {  	v3 =	vld [tilespmem:s14+$0xFFFFFFF0];
	_ =	sdelay $0x4  }
0xbf: {  	v52 =	vshll.u32 v3, $0x2  }
0xc0: {  	v3 =	vand.u32 $0x7, v3;
	v4 =	vand.u32 $0xFFFFFFE0, v52  }
0xc1: {  	v3 =	vor.u32 v3, v4  }
0xc2: {  	v4 =	vperm.xlane v3, v0;
	_ =	sdelay $0x1  }
0xc3: {  	v4 =	vadd.s32 v1, v4;
	_ =	sdelay $0x1  }
0xc4: {  	v3 =	vperm.xlane v3, v2;
	_ =	sdelay $0x1  }
0xc5: {  	s17 =	rddreg [dreg:$0xc];
	v3 =	vadd.s32 v1, v3  }
0xc6: {  	[tilespmem:s17], [sflag:$0x2] =	stream.indirect_vreg.gather [hbm4b:s2+s3], $0x80, v4, vm0, $0xb8;
	[tilespmem:$0x1D800] =	vst v63  }
0xc7: {  	s26 =	rddreg [dreg:$0xd]  }
0xc8: {  	[tilespmem:s26], [sflag:$0x2] =	stream.indirect_vreg.gather [hbm4b:s5+s3], $0x80, v4, vm0, $0xb8;
	[tilespmem:$0x1D800] =	vst v63  }
0xc9: {  	s16 =	rddreg [dreg:$0xe]  }
0xca: {  	[tilespmem:s16], [sflag:$0x2] =	stream.indirect_vreg.gather [hbm4b:s2+s3], $0x80, v3, vm0, $0xb8;
	[tilespmem:$0x1D800] =	vst v63  }
0xcb: {  	s26 =	rddreg [dreg:$0xf]  }
0xcc: {  	[tilespmem:s26], [sflag:$0x2] =	stream.indirect_vreg.gather [hbm4b:s5+s3], $0x80, v3, vm0, $0xb8;
	[tilespmem:$0x1D800] =	vst v63  }
0xcd: {  	v3 =	vld [tilespmem:s14+$0x0];
	_ =	sdelay $0x4  }
0xce: {  	v53 =	vshll.u32 v3, $0x2  }
0xcf: {  	v3 =	vand.u32 $0x7, v3;
	v4 =	vand.u32 $0xFFFFFFE0, v53  }
0xd0: {  	v3 =	vor.u32 v3, v4  }
0xd1: {  	v4 =	vperm.xlane v3, v0;
	_ =	sdelay $0x1  }
0xd2: {  	v4 =	vadd.s32 v1, v4;
	_ =	sdelay $0x1  }
0xd3: {  	v3 =	vperm.xlane v3, v2;
	_ =	sdelay $0x1  }
0xd4: {  	s17 =	rddreg [dreg:$0x10];
	v3 =	vadd.s32 v1, v3  }
0xd5: {  	[tilespmem:s17], [sflag:$0x2] =	stream.indirect_vreg.gather [hbm4b:s2+s3], $0x80, v4, vm0, $0xb8;
	[tilespmem:$0x1D800] =	vst v63  }
0xd6: {  	s26 =	rddreg [dreg:$0x11]  }
0xd7: {  	[tilespmem:s26], [sflag:$0x2] =	stream.indirect_vreg.gather [hbm4b:s5+s3], $0x80, v4, vm0, $0xb8;
	[tilespmem:$0x1D800] =	vst v63  }
0xd8: {  	s16 =	rddreg [dreg:$0x12]  }
0xd9: {  	[tilespmem:s16], [sflag:$0x2] =	stream.indirect_vreg.gather [hbm4b:s2+s3], $0x80, v3, vm0, $0xb8;
	[tilespmem:$0x1D800] =	vst v63  }
0xda: {  	s26 =	rddreg [dreg:$0x13]  }
0xdb: {  	[tilespmem:s26], [sflag:$0x2] =	stream.indirect_vreg.gather [hbm4b:s5+s3], $0x80, v3, vm0, $0xb8;
	[tilespmem:$0x1D800] =	vst v63  }
0xdc: {  	v3 =	vld [tilespmem:s14+$0x10];
	_ =	sdelay $0x4  }
0xdd: {  	v54 =	vshll.u32 v3, $0x2  }
0xde: {  	v3 =	vand.u32 $0x7, v3;
	v4 =	vand.u32 $0xFFFFFFE0, v54  }
0xdf: {  	v3 =	vor.u32 v3, v4  }
0xe0: {  	v4 =	vperm.xlane v3, v0;
	_ =	sdelay $0x1  }
0xe1: {  	v4 =	vadd.s32 v1, v4;
	_ =	sdelay $0x1  }
0xe2: {  	v3 =	vperm.xlane v3, v2;
	_ =	sdelay $0x1  }
0xe3: {  	s17 =	rddreg [dreg:$0x14];
	v3 =	vadd.s32 v1, v3  }
0xe4: {  	[tilespmem:s17], [sflag:$0x2] =	stream.indirect_vreg.gather [hbm4b:s2+s3], $0x80, v4, vm0, $0xb8;
	[tilespmem:$0x1D800] =	vst v63  }
0xe5: {  	s26 =	rddreg [dreg:$0x15]  }
0xe6: {  	[tilespmem:s26], [sflag:$0x2] =	stream.indirect_vreg.gather [hbm4b:s5+s3], $0x80, v4, vm0, $0xb8;
	[tilespmem:$0x1D800] =	vst v63  }
0xe7: {  	s16 =	rddreg [dreg:$0x16]  }
0xe8: {  	[tilespmem:s16], [sflag:$0x2] =	stream.indirect_vreg.gather [hbm4b:s2+s3], $0x80, v3, vm0, $0xb8;
	[tilespmem:$0x1D800] =	vst v63  }
0xe9: {  	s26 =	rddreg [dreg:$0x17]  }
0xea: {  	[tilespmem:s26], [sflag:$0x2] =	stream.indirect_vreg.gather [hbm4b:s5+s3], $0x80, v3, vm0, $0xb8;
	[tilespmem:$0x1D800] =	vst v63  }
0xeb: {  	v3 =	vld [tilespmem:s14+$0x20];
	_ =	sdelay $0x4  }
0xec: {  	v55 =	vshll.u32 v3, $0x2  }
0xed: {  	v3 =	vand.u32 $0x7, v3;
	v4 =	vand.u32 $0xFFFFFFE0, v55  }
0xee: {  	v3 =	vor.u32 v3, v4  }
0xef: {  	v4 =	vperm.xlane v3, v0;
	_ =	sdelay $0x1  }
0xf0: {  	v4 =	vadd.s32 v1, v4;
	_ =	sdelay $0x1  }
0xf1: {  	v3 =	vperm.xlane v3, v2;
	_ =	sdelay $0x1  }
0xf2: {  	s17 =	rddreg [dreg:$0x18];
	v3 =	vadd.s32 v1, v3  }
0xf3: {  	[tilespmem:s17], [sflag:$0x2] =	stream.indirect_vreg.gather [hbm4b:s2+s3], $0x80, v4, vm0, $0xb8;
	[tilespmem:$0x1D800] =	vst v63  }
0xf4: {  	s26 =	rddreg [dreg:$0x19]  }
0xf5: {  	[tilespmem:s26], [sflag:$0x2] =	stream.indirect_vreg.gather [hbm4b:s5+s3], $0x80, v4, vm0, $0xb8;
	[tilespmem:$0x1D800] =	vst v63  }
0xf6: {  	s16 =	rddreg [dreg:$0x1a]  }
0xf7: {  	[tilespmem:s16], [sflag:$0x2] =	stream.indirect_vreg.gather [hbm4b:s2+s3], $0x80, v3, vm0, $0xb8;
	[tilespmem:$0x1D800] =	vst v63  }
0xf8: {  	s26 =	rddreg [dreg:$0x1b]  }
0xf9: {  	[tilespmem:s26], [sflag:$0x2] =	stream.indirect_vreg.gather [hbm4b:s5+s3], $0x80, v3, vm0, $0xb8;
	[tilespmem:$0x1D800] =	vst v63  }
0xfa: {  	v3 =	vld [tilespmem:s14+$0x30];
	_ =	sdelay $0x4  }
0xfb: {  	v56 =	vshll.u32 v3, $0x2  }
0xfc: {  	v3 =	vand.u32 $0x7, v3;
	v4 =	vand.u32 $0xFFFFFFE0, v56  }
0xfd: {  	v3 =	vor.u32 v3, v4  }
0xfe: {  	v4 =	vperm.xlane v3, v0;
	_ =	sdelay $0x1  }
0xff: {  	v4 =	vadd.s32 v1, v4;
	_ =	sdelay $0x1  }
0x100: {  	v3 =	vperm.xlane v3, v2  }
0x101: {  	s17 =	rddreg [dreg:$0x1d]  }
0x102: {  	s26 =	rddreg [dreg:$0x1c];
	v3 =	vadd.s32 v1, v3  }
0x103: {  	[tilespmem:s26], [sflag:$0x2] =	stream.indirect_vreg.gather [hbm4b:s2+s3], $0x80, v4, vm0, $0xb8;
	[tilespmem:$0x1D800] =	vst v63  }
0x104: {  	s26 =	rddreg [dreg:$0x1e]  }
0x105: {  	[tilespmem:s17], [sflag:$0x2] =	stream.indirect_vreg.gather [hbm4b:s5+s3], $0x80, v4, vm0, $0xb8;
	[tilespmem:$0x1D800] =	vst v63  }
0x106: {  	s17 =	rddreg [dreg:$0x1f]  }
0x107: {  	[tilespmem:s26], [sflag:$0x2] =	stream.indirect_vreg.gather [hbm4b:s2+s3], $0x80, v3, vm0, $0xb8;
	[tilespmem:$0x1D800] =	vst v63  }
0x108: {  	s26 =	rddreg [dreg:$0x4]  }
0x109: {  	[tilespmem:s17], [sflag:$0x2] =	stream.indirect_vreg.gather [hbm4b:s5+s3], $0x80, v3, vm0, $0xb8;
	[tilespmem:$0x1D800] =	vst v63  }
0x10a: {  	s16 =	sadd.s32 s15, s26  }
0x10b: {  	[hbm4b:s16+s3] =	stream.linear.scatter [tilespmem:s9], [sflag:$0x3], $0xE000, $0x38;
	[tilespmem:$0x1D800] =	vst v63  }
0x10c: {  	_ =	swait.ge [sflag:s12], $0xE000  }
0x10d: {  	[sflag:s12] =	ssyncset.done $0x0  }
0x10e: {  	[sflag:s12] =	ssyncadd.s32 $0xFFFF2000  }
0x10f: {  	_ =	swait.ge [sflag:s13], $0xE000  }
0x110: {  	[sflag:s13] =	ssyncset.done $0x0  }
0x111: {  	[sflag:s13] =	ssyncadd.s32 $0xFFFF2000  }
0x112: {  	v3 =	vld [tilespmem:s14+$0x50];
	_ =	sdelay $0x4  }
0x113: {  	v57 =	vshll.u32 v3, $0x2  }
0x114: {  	v3 =	vand.u32 $0x7, v3;
	v4 =	vand.u32 $0xFFFFFFE0, v57  }
0x115: {  	v3 =	vor.u32 v3, v4  }
0x116: {  	v4 =	vperm.xlane v3, v0;
	_ =	sdelay $0x1  }
0x117: {  	v4 =	vadd.s32 v1, v4;
	_ =	sdelay $0x1  }
0x118: {  	v3 =	vperm.xlane v3, v2;
	_ =	sdelay $0x1  }
0x119: {  	v3 =	vadd.s32 v1, v3  }
0x11a: {  	[tilespmem:s9], [sflag:$0x1] =	stream.indirect_vreg.gather [hbm4b:s2+s3], $0x80, v4, vm0, $0xb8;
	[tilespmem:$0x1D800] =	vst v63  }
0x11b: {  	s17 =	simm.s32 $0x2000  }
0x11c: {  	[tilespmem:s17], [sflag:$0x1] =	stream.indirect_vreg.gather [hbm4b:s5+s3], $0x80, v4, vm0, $0xb8;
	[tilespmem:$0x1D800] =	vst v63  }
0x11d: {  	s26 =	simm.s32 $0x2800  }
0x11e: {  	[tilespmem:s26], [sflag:$0x1] =	stream.indirect_vreg.gather [hbm4b:s2+s3], $0x80, v3, vm0, $0xb8;
	[tilespmem:$0x1D800] =	vst v63  }
0x11f: {  	_ = 	snop  }
0x120: {  	[tilespmem:s19], [sflag:$0x1] =	stream.indirect_vreg.gather [hbm4b:s5+s3], $0x80, v3, vm0, $0xb8;
	[tilespmem:$0x1D800] =	vst v63  }
0x121: {  	v3 =	vld [tilespmem:s14+$0x60];
	_ =	sdelay $0x4  }
0x122: {  	v58 =	vshll.u32 v3, $0x2  }
0x123: {  	v3 =	vand.u32 $0x7, v3;
	v4 =	vand.u32 $0xFFFFFFE0, v58  }
0x124: {  	v3 =	vor.u32 v3, v4  }
0x125: {  	v4 =	vperm.xlane v3, v0;
	_ =	sdelay $0x1  }
0x126: {  	v4 =	vadd.s32 v1, v4;
	_ =	sdelay $0x1  }
0x127: {  	v3 =	vperm.xlane v3, v2;
	_ =	sdelay $0x1  }
0x128: {  	s26 =	simm.s32 $0x3800;
	v3 =	vadd.s32 v1, v3  }
0x129: {  	[tilespmem:s26], [sflag:$0x1] =	stream.indirect_vreg.gather [hbm4b:s2+s3], $0x80, v4, vm0, $0xb8;
	[tilespmem:$0x1D800] =	vst v63  }
0x12a: {  	_ = 	snop  }
0x12b: {  	[tilespmem:s21], [sflag:$0x1] =	stream.indirect_vreg.gather [hbm4b:s5+s3], $0x80, v4, vm0, $0xb8;
	[tilespmem:$0x1D800] =	vst v63  }
0x12c: {  	s26 =	simm.s32 $0x4800  }
0x12d: {  	[tilespmem:s26], [sflag:$0x1] =	stream.indirect_vreg.gather [hbm4b:s2+s3], $0x80, v3, vm0, $0xb8;
	[tilespmem:$0x1D800] =	vst v63  }
0x12e: {  	_ = 	snop  }
0x12f: {  	[tilespmem:s23], [sflag:$0x1] =	stream.indirect_vreg.gather [hbm4b:s5+s3], $0x80, v3, vm0, $0xb8;
	[tilespmem:$0x1D800] =	vst v63  }
0x130: {  	v3 =	vld [tilespmem:s14+$0x70];
	_ =	sdelay $0x4  }
0x131: {  	v59 =	vshll.u32 v3, $0x2  }
0x132: {  	v3 =	vand.u32 $0x7, v3;
	v4 =	vand.u32 $0xFFFFFFE0, v59  }
0x133: {  	v3 =	vor.u32 v3, v4  }
0x134: {  	v4 =	vperm.xlane v3, v0;
	_ =	sdelay $0x1  }
0x135: {  	v4 =	vadd.s32 v1, v4;
	_ =	sdelay $0x1  }
0x136: {  	v3 =	vperm.xlane v3, v2;
	_ =	sdelay $0x1  }
0x137: {  	s26 =	simm.s32 $0x5800;
	v3 =	vadd.s32 v1, v3  }
0x138: {  	[tilespmem:s26], [sflag:$0x1] =	stream.indirect_vreg.gather [hbm4b:s2+s3], $0x80, v4, vm0, $0xb8;
	[tilespmem:$0x1D800] =	vst v63  }
0x139: {  	_ = 	snop  }
0x13a: {  	[tilespmem:s25], [sflag:$0x1] =	stream.indirect_vreg.gather [hbm4b:s5+s3], $0x80, v4, vm0, $0xb8;
	[tilespmem:$0x1D800] =	vst v63  }
0x13b: {  	s26 =	simm.s32 $0x6800  }
0x13c: {  	[tilespmem:s26], [sflag:$0x1] =	stream.indirect_vreg.gather [hbm4b:s2+s3], $0x80, v3, vm0, $0xb8;
	[tilespmem:$0x1D800] =	vst v63  }
0x13d: {  	_ = 	snop  }
0x13e: {  	[tilespmem:s28], [sflag:$0x1] =	stream.indirect_vreg.gather [hbm4b:s5+s3], $0x80, v3, vm0, $0xb8;
	[tilespmem:$0x1D800] =	vst v63  }
0x13f: {  	v3 =	vld [tilespmem:s14+$0x80];
	_ =	sdelay $0x4  }
0x140: {  	v60 =	vshll.u32 v3, $0x2  }
0x141: {  	v3 =	vand.u32 $0x7, v3;
	v4 =	vand.u32 $0xFFFFFFE0, v60  }
0x142: {  	v3 =	vor.u32 v3, v4  }
0x143: {  	v4 =	vperm.xlane v3, v0;
	_ =	sdelay $0x1  }
0x144: {  	v4 =	vadd.s32 v1, v4;
	_ =	sdelay $0x1  }
0x145: {  	v3 =	vperm.xlane v3, v2;
	_ =	sdelay $0x1  }
0x146: {  	s26 =	simm.s32 $0x7800;
	v3 =	vadd.s32 v1, v3  }
0x147: {  	[tilespmem:s26], [sflag:$0x1] =	stream.indirect_vreg.gather [hbm4b:s2+s3], $0x80, v4, vm0, $0xb8;
	[tilespmem:$0x1D800] =	vst v63  }
0x148: {  	_ = 	snop  }
0x149: {  	[tilespmem:s30], [sflag:$0x1] =	stream.indirect_vreg.gather [hbm4b:s5+s3], $0x80, v4, vm0, $0xb8;
	[tilespmem:$0x1D800] =	vst v63  }
0x14a: {  	_ = 	snop  }
0x14b: {  	[tilespmem:s31], [sflag:$0x1] =	stream.indirect_vreg.gather [hbm4b:s2+s3], $0x80, v3, vm0, $0xb8;
	[tilespmem:$0x1D800] =	vst v63  }
0x14c: {  	_ = 	snop  }
0x14d: {  	[tilespmem:s1], [sflag:$0x1] =	stream.indirect_vreg.gather [hbm4b:s5+s3], $0x80, v3, vm0, $0xb8;
	[tilespmem:$0x1D800] =	vst v63  }
0x14e: {  	v3 =	vld [tilespmem:s14+$0x90];
	_ =	sdelay $0x4  }
0x14f: {  	v61 =	vshll.u32 v3, $0x2  }
0x150: {  	v3 =	vand.u32 $0x7, v3;
	v4 =	vand.u32 $0xFFFFFFE0, v61  }
0x151: {  	v3 =	vor.u32 v3, v4  }
0x152: {  	v4 =	vperm.xlane v3, v0;
	_ =	sdelay $0x1  }
0x153: {  	v4 =	vadd.s32 v1, v4;
	_ =	sdelay $0x1  }
0x154: {  	v3 =	vperm.xlane v3, v2;
	_ =	sdelay $0x1  }
0x155: {  	v3 =	vadd.s32 v1, v3  }
0x156: {  	[tilespmem:s0], [sflag:$0x1] =	stream.indirect_vreg.gather [hbm4b:s2+s3], $0x80, v4, vm0, $0xb8;
	[tilespmem:$0x1D800] =	vst v63  }
0x157: {  	_ = 	snop  }
0x158: {  	[tilespmem:s4], [sflag:$0x1] =	stream.indirect_vreg.gather [hbm4b:s5+s3], $0x80, v4, vm0, $0xb8;
	[tilespmem:$0x1D800] =	vst v63  }
0x159: {  	_ = 	snop  }
0x15a: {  	[tilespmem:s6], [sflag:$0x1] =	stream.indirect_vreg.gather [hbm4b:s2+s3], $0x80, v3, vm0, $0xb8;
	[tilespmem:$0x1D800] =	vst v63  }
0x15b: {  	_ = 	snop  }
0x15c: {  	[tilespmem:s7], [sflag:$0x1] =	stream.indirect_vreg.gather [hbm4b:s5+s3], $0x80, v3, vm0, $0xb8;
	[tilespmem:$0x1D800] =	vst v63  }
0x15d: {  	v3 =	vld [tilespmem:s14+$0xA0];
	_ =	sdelay $0x4  }
0x15e: {  	v62 =	vshll.u32 v3, $0x2  }
0x15f: {  	v3 =	vand.u32 $0x7, v3;
	v4 =	vand.u32 $0xFFFFFFE0, v62  }
0x160: {  	v3 =	vor.u32 v3, v4  }
0x161: {  	v4 =	vperm.xlane v3, v0;
	_ =	sdelay $0x1  }
0x162: {  	v4 =	vadd.s32 v1, v4;
	_ =	sdelay $0x1  }
0x163: {  	v3 =	vperm.xlane v3, v2;
	_ =	sdelay $0x1  }
0x164: {  	v3 =	vadd.s32 v1, v3  }
0x165: {  	[tilespmem:s8], [sflag:$0x1] =	stream.indirect_vreg.gather [hbm4b:s2+s3], $0x80, v4, vm0, $0xb8;
	[tilespmem:$0x1D800] =	vst v63  }
0x166: {  	_ = 	snop  }
0x167: {  	[tilespmem:s20], [sflag:$0x1] =	stream.indirect_vreg.gather [hbm4b:s5+s3], $0x80, v4, vm0, $0xb8;
	[tilespmem:$0x1D800] =	vst v63  }
0x168: {  	s26 =	simm.s32 $0xC800  }
0x169: {  	[tilespmem:s26], [sflag:$0x1] =	stream.indirect_vreg.gather [hbm4b:s2+s3], $0x80, v3, vm0, $0xb8;
	[tilespmem:$0x1D800] =	vst v63  }
0x16a: {  	s26 =	simm.s32 $0xD000  }
0x16b: {  	[tilespmem:s26], [sflag:$0x1] =	stream.indirect_vreg.gather [hbm4b:s5+s3], $0x80, v3, vm0, $0xb8;
	[tilespmem:$0x1D800] =	vst v63  }
0x16c: {  	v3 =	vld [tilespmem:s14+$0xB0];
	_ =	sdelay $0x4  }
0x16d: {  	v63 =	vshll.u32 v3, $0x2  }
0x16e: {  	v3 =	vand.u32 $0x7, v3;
	v4 =	vand.u32 $0xFFFFFFE0, v63  }
0x16f: {  	v3 =	vor.u32 v3, v4  }
0x170: {  	v4 =	vperm.xlane v3, v0;
	_ =	sdelay $0x1  }
0x171: {  	v4 =	vadd.s32 v1, v4;
	_ =	sdelay $0x1  }
0x172: {  	v3 =	vperm.xlane v3, v2;
	_ =	sdelay $0x1  }
0x173: {  	v3 =	vadd.s32 v1, v3  }
0x174: {  	[tilespmem:s24], [sflag:$0x1] =	stream.indirect_vreg.gather [hbm4b:s2+s3], $0x80, v4, vm0, $0xb8;
	[tilespmem:$0x1D800] =	vst v63  }
0x175: {  	s15 =	sadd.s32 $0x3800, s15  }
0x176: {  	[tilespmem:s29], [sflag:$0x1] =	stream.indirect_vreg.gather [hbm4b:s5+s3], $0x80, v4, vm0, $0xb8;
	[tilespmem:$0x1D800] =	vst v63  }
0x177: {  	p0 =	sne.s32 s15, $0x49800  }
0x178: {  	[tilespmem:s18], [sflag:$0x1] =	stream.indirect_vreg.gather [hbm4b:s2+s3], $0x80, v3, vm0, $0xb8;
	[tilespmem:$0x1D800] =	vst v63  }
.Ltmp0:
0x179: {  	_ = 	snop;
	(pc) =	sbr.rel @p0 .LBB2_2-.Ltmp0, $4  }
0x17a: {  	_ = 	snop  }
0x17b: {  	[tilespmem:s22], [sflag:$0x1] =	stream.indirect_vreg.gather [hbm4b:s5+s3], $0x80, v3, vm0, $0xb8;
	[tilespmem:$0x1D800] =	vst v63  }
0x17c: {  	s16 =	sadd.s32 $0x1C00, s16;
	s14 =	sadd.s32 $0x100, s14  }
0x17d: {  	[hbm4b:s16+s3] =	stream.linear.scatter [tilespmem:s11], [sflag:$0x4], $0xE000, $0x38;
	[tilespmem:$0x1D800] =	vst v63  }
0x17e: {  	_ =	swait.ge [sflag:s10], $0xE000  }
0x17f: {  	[sflag:s10] =	ssyncset.done $0x0  }
0x180: {  	s0 =	simm.s32 $0x4;
	[sflag:s10] =	ssyncadd.s32 $0xFFFF2000  }
0x181: {  	_ =	swait.ge [sflag:s0], $0xE000  }
0x182: {  	s14 =	sld [smem:$0x7FB]  }
0x183: {  	[sflag:s0] =	ssyncset.done $0x0  }
0x184: {  	[sflag:s0] =	ssyncadd.s32 $0xFFFF2000  }
0x185: {  	[hbm4b:s14+s3] =	stream.linear.scatter [tilespmem:s9], [sflag:$0x3], $0xE000, $0x38;
	[tilespmem:$0x1D800] =	vst v63  }
0x186: {  	_ =	swait.ge [sflag:s13], $0xE000  }
0x187: {  	s15 =	simm.s32 $0x2800;
	s25 =	sld [smem:$0x7FD]  }
0x188: {  	s16 =	simm.s32 $0x3000;
	s18 =	simm.s32 $0x3800;
	s26 =	sld [smem:$0x7FC]  }
0x189: {  	s19 =	simm.s32 $0x4000;
	s20 =	simm.s32 $0x4800;
	s21 =	simm.s32 $0x5000  }
0x18a: {  	s22 =	simm.s32 $0x5800;
	s23 =	simm.s32 $0x6000;
	s0 =	sadd.s32 $0x1, s25  }
0x18b: {  	s24 =	simm.s32 $0x6800;
	s28 =	simm.s32 $0x8000;
	p0 =	sne.s32 s0, s26  }
.Ltmp1:
0x18c: {  	s29 =	simm.s32 $0x8800;
	s1 =	simm.s32 $0x9000;
	(pc) =	sbr.rel @p0 .LBB2_1-.Ltmp1, $4  }
0x18d: {  	s4 =	simm.s32 $0xA000;
	s6 =	simm.s32 $0xA800;
	s7 =	simm.s32 $0xB000  }
0x18e: {  	s8 =	simm.s32 $0xB800;
	s30 =	simm.s32 $0xC000;
	[sflag:s13] =	ssyncset.done $0x0  }
0x18f: {  	s31 =	simm.s32 $0xC800;
	[sflag:s13] =	ssyncadd.s32 $0xFFFF2000;
	s25 =	simm.s32 $0x7000  }
0x190: {  	[smem:$0x7FD] =	sst s0;
	s26 =	simm.s32 $0x7800;
	s0 =	simm.s32 $0x9800  }
0x191: {  	_ =	sfence.sel $0x180000  }
0x192: {  	[bflag:$0x0] =	sbarrier.arrive $0xFFFF  }
0x193: {  	_ =	strace $0x90000047  }
0x194: {  	s0 =	stileid.u32;
	[bflag:$0x2] =	sbarrier.arrive $0xFFFF  }
0x195: {  	p0 =	sne.s32 s0, $0x0;
	s0 =	rddreg [dreg:$0x3]  }
0x196: {  	s0 =	sadd.s32 @!p0 $0x100000, s0  }
0x197: {  	[sflag:s0] =	ssyncadd.tile.s32 @!p0 $0x1;
	_ =	shalt  }
.Lfunc_end2:
_tile_overlayer_lowered:
.L_overlay_start_2:
0x198: {  	(tag) =	ssettag $0x2  }
0x199: {  	s0 =	rddreg [dreg:$0x0];
	s2 =	stileid.u32  }
0x19a: {  	s1 =	rddreg [dreg:$0x1];
	p0 =	sne.s32 s2, $0x0  }
0x19b: {  	s3 =	rddreg [dreg:$0x2];
	[bflag:$0x3] =	sbarrier.arrive $0xFFFF;
	s2 =	simm.s32 @!p0 $0x1C05  }
0x19c: {  	[timem:s3], [sflag:s2] =	dma.local @!p0 [hbm:s0], s1  }
0x19d: {  	s0 =	simm.s32 @!p0 $0x5  }
0x19e: {  	_ =	swait.ge @!p0 [sflag:s0], s1  }
0x19f: {  	s1 =	ssub.s32 @!p0 $0x0, s1;
	[sflag:s0] =	ssyncset.done @!p0 $0x0  }
0x1a0: {  	[sflag:s0] =	ssyncadd.s32 @!p0 s1  }
0x1a1: {  	[bflag:$0x3] =	sbarrier.arrive $0xFFFF  }
0x1a2: {  	_ =	shalt  }

</sc_bundles>
